<compile_context>
chip_gen: v7x
topology: tpu7x:2x2x1
jax: 0.10.2.dev20260603
libtpu: 0.0.44.dev20260713+nightly
codegen_flags: <defaults>
</compile_context>

<pallas_src>
import functools

import jax
import jax.numpy as jnp
from jax import lax
from jax.experimental import pallas as pl
from jax.experimental.pallas import tpu as pltpu
from jax.experimental.pallas import tpu_sc as plsc

K = 8192
D = 256
B = 4096

BB = 4096
BK = 1024
NB = B // BB
NK = K // BK

_NC = 2
_NS = 16
_NW = _NC * _NS
_BPW = B // _NW


_NL = 128


def _mm_argmax(z_ref, ea_ref, ev_ref, out_ref, idx_ref, ebuf_ref, max_ref,
               arg_ref):
    c = pl.program_id(0)
    bk = pl.program_id(1)
    bb = pl.program_id(2)

    @pl.when(c == 0)
    def _():
        ebuf_ref[...] = ea_ref[...]

    @pl.when(c == 1)
    def _():
        ebuf_ref[...] = ev_ref[...]

    blk = lax.dot_general(z_ref[...], ebuf_ref[...], (((1,), (1,)), ((), ())),
                          preferred_element_type=jnp.float32)
    out_ref[...] = blk

    nj = BK // _NL
    M = blk[:, :_NL]
    for j in range(1, nj):
        M = jnp.maximum(M, blk[:, j * _NL:(j + 1) * _NL])
    J = jnp.full((BB, _NL), nj, jnp.int32)
    for j in range(nj - 1, -1, -1):
        J = jnp.where(blk[:, j * _NL:(j + 1) * _NL] == M, j, J)
    lane = lax.broadcasted_iota(jnp.int32, (BB, _NL), 1)
    gcol = bk * BK + J * _NL + lane
    rows = pl.ds(bb * BB, BB)

    @pl.when(bk == 0)
    def _():
        max_ref[rows, :] = M
        arg_ref[rows, :] = gcol

    @pl.when(bk > 0)
    def _():
        cur = max_ref[rows, :]
        gt = M > cur
        max_ref[rows, :] = jnp.maximum(cur, M)
        arg_ref[rows, :] = jnp.where(gt, gcol, arg_ref[rows, :])

    @pl.when(bk == NK - 1)
    def _():
        Mr = max_ref[rows, :]
        Cr = arg_ref[rows, :]
        gmax = jnp.max(Mr, axis=1, keepdims=True)
        idx_ref[0] = jnp.min(jnp.where(Mr == gmax, Cr, K),
                             axis=1, keepdims=True)


def _logits_and_idx(z_e_x, emb_a, emb_v):
    return pl.pallas_call(
        _mm_argmax,
        grid=(2, NK, NB),
        in_specs=[
            pl.BlockSpec((BB, D), lambda c, k, b: (b, c)),
            pl.BlockSpec((BK, D), lambda c, k, b: (jnp.where(c == 0, k, 0), 0)),
            pl.BlockSpec((BK, D), lambda c, k, b: (jnp.where(c == 1, k, 0), 0)),
        ],
        out_specs=[
            pl.BlockSpec((BB, BK), lambda c, k, b: (b, c * NK + k)),
            pl.BlockSpec((1, BB, 1), lambda c, k, b: (c, b, 0)),
        ],
        out_shape=[
            jax.ShapeDtypeStruct((B, 2 * K), jnp.float32),
            jax.ShapeDtypeStruct((2, B, 1), jnp.int32),
        ],
        scratch_shapes=[
            pltpu.VMEM((BK, D), jnp.float32),
            pltpu.VMEM((B, _NL), jnp.float32),
            pltpu.VMEM((B, _NL), jnp.int32),
        ],
        compiler_params=pltpu.CompilerParams(
            dimension_semantics=("arbitrary", "arbitrary", "arbitrary"),
            vmem_limit_bytes=63 * 1024 * 1024),
    )(z_e_x, emb_a, emb_v)


def _sc_gather(emb_a, emb_v, idx_flat):
    mesh = plsc.VectorSubcoreMesh(core_axis_name="c", subcore_axis_name="s")

    @functools.partial(
        pl.kernel, mesh=mesh,
        out_type=[jax.ShapeDtypeStruct((B, 2 * D), jnp.float32),
                  jax.ShapeDtypeStruct((B, 2 * D), jnp.float32)],
        scratch_types=[
            pltpu.VMEM((_BPW,), jnp.int32),
            pltpu.VMEM((_BPW,), jnp.int32),
            pltpu.VMEM((_BPW, D), jnp.float32),
            pltpu.VMEM((_BPW, D), jnp.float32),
            pltpu.SemaphoreType.DMA,
            pltpu.SemaphoreType.DMA,
        ],
    )
    def gather(ea_hbm, ev_hbm, idx_hbm, st_hbm, q_hbm, idx_a, idx_b, rows_a,
               rows_b, sem_g, sem_w):
        wid = lax.axis_index("s") * _NC + lax.axis_index("c")
        base = wid * _BPW
        pltpu.sync_copy(idx_hbm.at[pl.ds(base, _BPW)], idx_a)
        pltpu.sync_copy(idx_hbm.at[pl.ds(B + base, _BPW)], idx_b)
        ga = pltpu.async_copy(ea_hbm.at[idx_a], rows_a, sem_g)
        gb = pltpu.async_copy(ev_hbm.at[idx_b], rows_b, sem_g)
        dst_r = pl.ds(base, _BPW)
        ga.wait()
        w1 = pltpu.async_copy(rows_a, st_hbm.at[dst_r, pl.ds(0, D)], sem_w)
        w2 = pltpu.async_copy(rows_a, q_hbm.at[dst_r, pl.ds(0, D)], sem_w)
        gb.wait()
        w3 = pltpu.async_copy(rows_b, st_hbm.at[dst_r, pl.ds(D, D)], sem_w)
        w4 = pltpu.async_copy(rows_b, q_hbm.at[dst_r, pl.ds(D, D)], sem_w)
        w1.wait()
        w2.wait()
        w3.wait()
        w4.wait()

    return gather(emb_a, emb_v, idx_flat)


def kernel(z_e_x, emb_a, emb_v):
    logits, idx = _logits_and_idx(z_e_x, emb_a, emb_v)
    idx_flat = idx.reshape(2 * B)
    z_q_st, z_q = _sc_gather(emb_a, emb_v, idx_flat)
    return z_q_st, z_q, logits

# --- scband reference (transcript-rebuilt; emitter-appended) ---
"""Pipeline reference for scband-vqembedding-85177791414763 (READ-ONLY COPY).

The authoritative reference and input builder live on the scoring server;
editing this copy changes nothing except your own understanding.
"""

import jax, jax.numpy as jnp
import numpy as np

K = 8192
D = 256
B = 4096


def setup_inputs(seed: int = 0) -> dict:
    key = jax.random.key(seed)
    k1, k2, k3 = jax.random.split(key, 3)
    z_e_x = jax.random.normal(k1, (B, 2 * D), dtype=jnp.float32)
    emb_a = jax.random.uniform(k2, (K, D), minval=-1.0 / K, maxval=1.0 / K, dtype=jnp.float32)
    emb_v = jax.random.uniform(k3, (K, D), minval=-1.0 / K, maxval=1.0 / K, dtype=jnp.float32)
    return {"z_e_x": z_e_x, "emb_a": emb_a, "emb_v": emb_v}


def _straight_through_one(z, w):
    w_d = jax.lax.stop_gradient(w)
    logits = z @ w_d.T                      # [B, K] similarity scores (returned as 'indices')
    idx = jnp.argmax(logits, axis=-1)       # [B]
    z_q_st = jnp.take(w_d, idx, axis=0)     # detached codebook gather
    z_q = jnp.take(w, idx, axis=0)          # codebook gather (grads flow to codebook)
    return z_q_st, z_q, logits


def reference(z_e_x, emb_a, emb_v):
    st_a, q_a, log_a = _straight_through_one(z_e_x[:, :D], emb_a)
    st_v, q_v, log_v = _straight_through_one(z_e_x[:, D:], emb_v)
    z_q_x_st = jnp.concatenate([st_a, st_v], axis=-1)   # [B, 2D]
    z_q_x = jnp.concatenate([q_a, q_v], axis=-1)        # [B, 2D]
    indices = jnp.concatenate([log_a, log_v], axis=-1)  # [B, 2K]
    return z_q_x_st, z_q_x, indices

if __name__ == "__main__":
    import jax
    _d = setup_inputs()
    print(jax.jit(kernel)(*tuple(_d.values())))

</pallas_src>

<mosaic_0001>
#map = affine_map<(d0, d1) -> (0, 0)>
#map1 = affine_map<(d0, d1) -> (0)>
module attributes {stable_mosaic.version = 14 : i64} {
  func.func @gather(%arg0: i32, %arg1: i32, %arg2: memref<8192x256xf32, #tpu.memory_space<hbm>>, %arg3: memref<8192x256xf32, #tpu.memory_space<hbm>>, %arg4: memref<8192xi32, #tpu.memory_space<hbm>>, %arg5: memref<4096x512xf32, #tpu.memory_space<hbm>>, %arg6: memref<4096x512xf32, #tpu.memory_space<hbm>>, %arg7: memref<128xi32, #tpu.memory_space<vmem>>, %arg8: memref<128xi32, #tpu.memory_space<vmem>>, %arg9: memref<128x256xf32, #tpu.memory_space<vmem>>, %arg10: memref<128x256xf32, #tpu.memory_space<vmem>>, %arg11: memref<!tpu.dma_semaphore, #tpu.memory_space<semaphore_mem>>, %arg12: memref<!tpu.dma_semaphore, #tpu.memory_space<semaphore_mem>>) attributes {dimension_semantics = [#tpu.dimension_semantics<core_parallel>, #tpu.dimension_semantics<subcore_parallel>], iteration_bounds = array<i64: 2, 16>, scalar_prefetch = 0 : i64, scratch_operands = 6 : i64, tpu.core_type = #tpu.core_type<sc_vector_subcore>, window_params = [{transform_indices = #map}, {transform_indices = #map}, {transform_indices = #map1}, {transform_indices = #map}, {transform_indices = #map}]} {
    %mul3A = arith.constant 2 : i32
    %mul3A_0 = arith.muli %arg1, %mul3A : i32
    %add3A = arith.addi %mul3A_0, %arg0 : i32
    %mul3A_1 = arith.constant 128 : i32
    %mul3A_2 = arith.muli %add3A, %mul3A_1 : i32
    "tpu.region"() ({
      %run_scoped3A = tpu.sem_alloc : memref<!tpu.dma_semaphore, #tpu.memory_space<semaphore_mem>>
      %dma_start3A_47 = tpu.memref_slice %arg4[%mul3A_2] : memref<8192xi32, #tpu.memory_space<hbm>> -> memref<128xi32, #tpu.memory_space<hbm>>
      %dma_start3A_48 = tpu.memref_slice %arg4[%mul3A_2] : memref<8192xi32, #tpu.memory_space<hbm>> -> memref<128xi32, #tpu.memory_space<hbm>>
      tpu.enqueue_dma source(%dma_start3A_48 : memref<128xi32, #tpu.memory_space<hbm>>) target(%arg7 : memref<128xi32, #tpu.memory_space<vmem>>) target_semaphore(%run_scoped3A : memref<!tpu.dma_semaphore, #tpu.memory_space<semaphore_mem>>)
      %dma_wait3A_49 = tpu.memref_slice %arg4[%mul3A_2] : memref<8192xi32, #tpu.memory_space<hbm>> -> memref<128xi32, #tpu.memory_space<hbm>>
      %dma_wait3A_50 = tpu.memref_slice %arg4[%mul3A_2] : memref<8192xi32, #tpu.memory_space<hbm>> -> memref<128xi32, #tpu.memory_space<hbm>>
      tpu.wait_dma2 semaphore(%run_scoped3A : memref<!tpu.dma_semaphore, #tpu.memory_space<semaphore_mem>>) src(%dma_wait3A_50 : memref<128xi32, #tpu.memory_space<hbm>>) dst(%arg7 : memref<128xi32, #tpu.memory_space<vmem>>)
      tpu.yield
    }) : () -> ()
    %add3A_3 = arith.constant 4096 : i32
    %add3A_4 = arith.addi %add3A_3, %mul3A_2 : i32
    "tpu.region"() ({
      %run_scoped3A = tpu.sem_alloc : memref<!tpu.dma_semaphore, #tpu.memory_space<semaphore_mem>>
      %dma_start3A_47 = tpu.memref_slice %arg4[%add3A_4] : memref<8192xi32, #tpu.memory_space<hbm>> -> memref<128xi32, #tpu.memory_space<hbm>>
      %dma_start3A_48 = tpu.memref_slice %arg4[%add3A_4] : memref<8192xi32, #tpu.memory_space<hbm>> -> memref<128xi32, #tpu.memory_space<hbm>>
      tpu.enqueue_dma source(%dma_start3A_48 : memref<128xi32, #tpu.memory_space<hbm>>) target(%arg8 : memref<128xi32, #tpu.memory_space<vmem>>) target_semaphore(%run_scoped3A : memref<!tpu.dma_semaphore, #tpu.memory_space<semaphore_mem>>)
      %dma_wait3A_49 = tpu.memref_slice %arg4[%add3A_4] : memref<8192xi32, #tpu.memory_space<hbm>> -> memref<128xi32, #tpu.memory_space<hbm>>
      %dma_wait3A_50 = tpu.memref_slice %arg4[%add3A_4] : memref<8192xi32, #tpu.memory_space<hbm>> -> memref<128xi32, #tpu.memory_space<hbm>>
      tpu.wait_dma2 semaphore(%run_scoped3A : memref<!tpu.dma_semaphore, #tpu.memory_space<semaphore_mem>>) src(%dma_wait3A_50 : memref<128xi32, #tpu.memory_space<hbm>>) dst(%arg8 : memref<128xi32, #tpu.memory_space<vmem>>)
      tpu.yield
    }) : () -> ()
    %dma_start3A = arith.constant 0 : i32
    %dma_start3A_5 = arith.constant 0 : i32
    %dma_start3A_6 = tpu.memref_slice %arg2[%dma_start3A, %dma_start3A_5] : memref<8192x256xf32, #tpu.memory_space<hbm>> -> memref<8192x256xf32, #tpu.memory_space<hbm>>
    tpu.enqueue_indirect_dma source(%dma_start3A_6 : memref<8192x256xf32, #tpu.memory_space<hbm>>) target(%arg9 : memref<128x256xf32, #tpu.memory_space<vmem>>) offsets(%arg7 : memref<128xi32, #tpu.memory_space<vmem>>) semaphore(%arg11 : memref<!tpu.dma_semaphore, #tpu.memory_space<semaphore_mem>>)
    %dma_start3A_7 = arith.constant 0 : i32
    %dma_start3A_8 = arith.constant 0 : i32
    %dma_start3A_9 = tpu.memref_slice %arg3[%dma_start3A_7, %dma_start3A_8] : memref<8192x256xf32, #tpu.memory_space<hbm>> -> memref<8192x256xf32, #tpu.memory_space<hbm>>
    tpu.enqueue_indirect_dma source(%dma_start3A_9 : memref<8192x256xf32, #tpu.memory_space<hbm>>) target(%arg10 : memref<128x256xf32, #tpu.memory_space<vmem>>) offsets(%arg8 : memref<128xi32, #tpu.memory_space<vmem>>) semaphore(%arg11 : memref<!tpu.dma_semaphore, #tpu.memory_space<semaphore_mem>>)
    %dma_wait3A = arith.constant 0 : i32
    %dma_wait3A_10 = arith.constant 0 : i32
    %dma_wait3A_11 = tpu.memref_slice %arg2[%dma_wait3A, %dma_wait3A_10] : memref<8192x256xf32, #tpu.memory_space<hbm>> -> memref<8192x256xf32, #tpu.memory_space<hbm>>
    tpu.wait_indirect_dma semaphore(%arg11 : memref<!tpu.dma_semaphore, #tpu.memory_space<semaphore_mem>>) src(%dma_wait3A_11 : memref<8192x256xf32, #tpu.memory_space<hbm>>) dst(%arg9 : memref<128x256xf32, #tpu.memory_space<vmem>>)
    %dma_start3A_12 = arith.constant 0 : i32
    %dma_start3A_13 = tpu.memref_slice %arg5[%mul3A_2, %dma_start3A_12] : memref<4096x512xf32, #tpu.memory_space<hbm>> -> memref<128x256xf32, #tpu.memory_space<hbm>>
    %dma_start3A_14 = arith.constant 0 : i32
    %dma_start3A_15 = tpu.memref_slice %arg5[%mul3A_2, %dma_start3A_14] : memref<4096x512xf32, #tpu.memory_space<hbm>> -> memref<128x256xf32, #tpu.memory_space<hbm>>
    tpu.enqueue_dma source(%arg9 : memref<128x256xf32, #tpu.memory_space<vmem>>) target(%dma_start3A_15 : memref<128x256xf32, #tpu.memory_space<hbm>>) target_semaphore(%arg12 : memref<!tpu.dma_semaphore, #tpu.memory_space<semaphore_mem>>)
    %dma_start3A_16 = arith.constant 0 : i32
    %dma_start3A_17 = tpu.memref_slice %arg6[%mul3A_2, %dma_start3A_16] : memref<4096x512xf32, #tpu.memory_space<hbm>> -> memref<128x256xf32, #tpu.memory_space<hbm>>
    %dma_start3A_18 = arith.constant 0 : i32
    %dma_start3A_19 = tpu.memref_slice %arg6[%mul3A_2, %dma_start3A_18] : memref<4096x512xf32, #tpu.memory_space<hbm>> -> memref<128x256xf32, #tpu.memory_space<hbm>>
    tpu.enqueue_dma source(%arg9 : memref<128x256xf32, #tpu.memory_space<vmem>>) target(%dma_start3A_19 : memref<128x256xf32, #tpu.memory_space<hbm>>) target_semaphore(%arg12 : memref<!tpu.dma_semaphore, #tpu.memory_space<semaphore_mem>>)
    %dma_wait3A_20 = arith.constant 0 : i32
    %dma_wait3A_21 = arith.constant 0 : i32
    %dma_wait3A_22 = tpu.memref_slice %arg3[%dma_wait3A_20, %dma_wait3A_21] : memref<8192x256xf32, #tpu.memory_space<hbm>> -> memref<8192x256xf32, #tpu.memory_space<hbm>>
    tpu.wait_indirect_dma semaphore(%arg11 : memref<!tpu.dma_semaphore, #tpu.memory_space<semaphore_mem>>) src(%dma_wait3A_22 : memref<8192x256xf32, #tpu.memory_space<hbm>>) dst(%arg10 : memref<128x256xf32, #tpu.memory_space<vmem>>)
    %dma_start3A_23 = arith.constant 256 : i32
    %dma_start3A_24 = tpu.memref_slice %arg5[%mul3A_2, %dma_start3A_23] : memref<4096x512xf32, #tpu.memory_space<hbm>> -> memref<128x256xf32, #tpu.memory_space<hbm>>
    %dma_start3A_25 = arith.constant 256 : i32
    %dma_start3A_26 = tpu.memref_slice %arg5[%mul3A_2, %dma_start3A_25] : memref<4096x512xf32, #tpu.memory_space<hbm>> -> memref<128x256xf32, #tpu.memory_space<hbm>>
    tpu.enqueue_dma source(%arg10 : memref<128x256xf32, #tpu.memory_space<vmem>>) target(%dma_start3A_26 : memref<128x256xf32, #tpu.memory_space<hbm>>) target_semaphore(%arg12 : memref<!tpu.dma_semaphore, #tpu.memory_space<semaphore_mem>>)
    %dma_start3A_27 = arith.constant 256 : i32
    %dma_start3A_28 = tpu.memref_slice %arg6[%mul3A_2, %dma_start3A_27] : memref<4096x512xf32, #tpu.memory_space<hbm>> -> memref<128x256xf32, #tpu.memory_space<hbm>>
    %dma_start3A_29 = arith.constant 256 : i32
    %dma_start3A_30 = tpu.memref_slice %arg6[%mul3A_2, %dma_start3A_29] : memref<4096x512xf32, #tpu.memory_space<hbm>> -> memref<128x256xf32, #tpu.memory_space<hbm>>
    tpu.enqueue_dma source(%arg10 : memref<128x256xf32, #tpu.memory_space<vmem>>) target(%dma_start3A_30 : memref<128x256xf32, #tpu.memory_space<hbm>>) target_semaphore(%arg12 : memref<!tpu.dma_semaphore, #tpu.memory_space<semaphore_mem>>)
    %dma_wait3A_31 = arith.constant 0 : i32
    %dma_wait3A_32 = tpu.memref_slice %arg5[%mul3A_2, %dma_wait3A_31] : memref<4096x512xf32, #tpu.memory_space<hbm>> -> memref<128x256xf32, #tpu.memory_space<hbm>>
    %dma_wait3A_33 = arith.constant 0 : i32
    %dma_wait3A_34 = tpu.memref_slice %arg5[%mul3A_2, %dma_wait3A_33] : memref<4096x512xf32, #tpu.memory_space<hbm>> -> memref<128x256xf32, #tpu.memory_space<hbm>>
    tpu.wait_dma2 semaphore(%arg12 : memref<!tpu.dma_semaphore, #tpu.memory_space<semaphore_mem>>) src(%arg9 : memref<128x256xf32, #tpu.memory_space<vmem>>) dst(%dma_wait3A_34 : memref<128x256xf32, #tpu.memory_space<hbm>>)
    %dma_wait3A_35 = arith.constant 0 : i32
    %dma_wait3A_36 = tpu.memref_slice %arg6[%mul3A_2, %dma_wait3A_35] : memref<4096x512xf32, #tpu.memory_space<hbm>> -> memref<128x256xf32, #tpu.memory_space<hbm>>
    %dma_wait3A_37 = arith.constant 0 : i32
    %dma_wait3A_38 = tpu.memref_slice %arg6[%mul3A_2, %dma_wait3A_37] : memref<4096x512xf32, #tpu.memory_space<hbm>> -> memref<128x256xf32, #tpu.memory_space<hbm>>
    tpu.wait_dma2 semaphore(%arg12 : memref<!tpu.dma_semaphore, #tpu.memory_space<semaphore_mem>>) src(%arg9 : memref<128x256xf32, #tpu.memory_space<vmem>>) dst(%dma_wait3A_38 : memref<128x256xf32, #tpu.memory_space<hbm>>)
    %dma_wait3A_39 = arith.constant 256 : i32
    %dma_wait3A_40 = tpu.memref_slice %arg5[%mul3A_2, %dma_wait3A_39] : memref<4096x512xf32, #tpu.memory_space<hbm>> -> memref<128x256xf32, #tpu.memory_space<hbm>>
    %dma_wait3A_41 = arith.constant 256 : i32
    %dma_wait3A_42 = tpu.memref_slice %arg5[%mul3A_2, %dma_wait3A_41] : memref<4096x512xf32, #tpu.memory_space<hbm>> -> memref<128x256xf32, #tpu.memory_space<hbm>>
    tpu.wait_dma2 semaphore(%arg12 : memref<!tpu.dma_semaphore, #tpu.memory_space<semaphore_mem>>) src(%arg10 : memref<128x256xf32, #tpu.memory_space<vmem>>) dst(%dma_wait3A_42 : memref<128x256xf32, #tpu.memory_space<hbm>>)
    %dma_wait3A_43 = arith.constant 256 : i32
    %dma_wait3A_44 = tpu.memref_slice %arg6[%mul3A_2, %dma_wait3A_43] : memref<4096x512xf32, #tpu.memory_space<hbm>> -> memref<128x256xf32, #tpu.memory_space<hbm>>
    %dma_wait3A_45 = arith.constant 256 : i32
    %dma_wait3A_46 = tpu.memref_slice %arg6[%mul3A_2, %dma_wait3A_45] : memref<4096x512xf32, #tpu.memory_space<hbm>> -> memref<128x256xf32, #tpu.memory_space<hbm>>
    tpu.wait_dma2 semaphore(%arg12 : memref<!tpu.dma_semaphore, #tpu.memory_space<semaphore_mem>>) src(%arg10 : memref<128x256xf32, #tpu.memory_space<vmem>>) dst(%dma_wait3A_46 : memref<128x256xf32, #tpu.memory_space<hbm>>)
    return
  }
}

module attributes {stable_mosaic.version = 14 : i64} {
  func.func @_mm_argmax(%arg0: i32, %arg1: i32, %arg2: i32, %arg3: memref<4096x256xf32, #tpu.memory_space<vmem>>, %arg4: memref<1024x256xf32, #tpu.memory_space<vmem>>, %arg5: memref<1024x256xf32, #tpu.memory_space<vmem>>, %arg6: memref<4096x1024xf32, #tpu.memory_space<vmem>>, %arg7: memref<1x4096x1xi32, #tpu.memory_space<vmem>>, %arg8: memref<1024x256xf32, #tpu.memory_space<vmem>>, %arg9: memref<4096x128xf32, #tpu.memory_space<vmem>>, %arg10: memref<4096x128xi32, #tpu.memory_space<vmem>>) attributes {dimension_semantics = [#tpu.dimension_semantics<arbitrary>, #tpu.dimension_semantics<arbitrary>, #tpu.dimension_semantics<arbitrary>], iteration_bounds = array<i64: 2, 8, 1>, scalar_prefetch = 0 : i64, scratch_operands = 3 : i64, tpu.core_type = #tpu.core_type<tc>, window_params = [{transform_indices = @transform_0, window_bounds = array<i64: 4096, 256>}, {transform_indices = @transform_1, window_bounds = array<i64: 1024, 256>}, {transform_indices = @transform_2, window_bounds = array<i64: 1024, 256>}, {transform_indices = @transform_3, window_bounds = array<i64: 4096, 1024>}, {transform_indices = @transform_4, window_bounds = array<i64: 1, 4096, 1>}]} {
    %eq3A = arith.constant 0 : i32
    %eq3A_0 = arith.cmpi eq, %arg0, %eq3A : i32
    %convert_element_type3A = arith.extui %eq3A_0 : i1 to i32
    %cond3A = arith.constant 0 : i32
    %cond3A_1 = arith.cmpi ne, %convert_element_type3A, %cond3A : i32
    scf.if %cond3A_1 {
      %get3A_89 = arith.constant 0 : index
      %get3A_90 = arith.constant 0 : index
      %get3A_91 = vector.load %arg4[%get3A_89, %get3A_90] : memref<1024x256xf32, #tpu.memory_space<vmem>>, vector<1024x256xf32>
      %swap3A_92 = arith.constant 0 : index
      %swap3A_93 = arith.constant 0 : index
      %swap3A_94 = vector.load %arg8[%swap3A_92, %swap3A_93] : memref<1024x256xf32, #tpu.memory_space<vmem>>, vector<1024x256xf32>
      tpu.vector_store %arg8[%swap3A_92, %swap3A_93], %get3A_91 {strides = array<i32>} : memref<1024x256xf32, #tpu.memory_space<vmem>>, vector<1024x256xf32>,
    } else {
    }
    %eq3A_2 = arith.constant 1 : i32
    %eq3A_3 = arith.cmpi eq, %arg0, %eq3A_2 : i32
    %convert_element_type3A_4 = arith.extui %eq3A_3 : i1 to i32
    %cond3A_5 = arith.constant 0 : i32
    %cond3A_6 = arith.cmpi ne, %convert_element_type3A_4, %cond3A_5 : i32
    scf.if %cond3A_6 {
      %get3A_89 = arith.constant 0 : index
      %get3A_90 = arith.constant 0 : index
      %get3A_91 = vector.load %arg5[%get3A_89, %get3A_90] : memref<1024x256xf32, #tpu.memory_space<vmem>>, vector<1024x256xf32>
      %swap3A_92 = arith.constant 0 : index
      %swap3A_93 = arith.constant 0 : index
      %swap3A_94 = vector.load %arg8[%swap3A_92, %swap3A_93] : memref<1024x256xf32, #tpu.memory_space<vmem>>, vector<1024x256xf32>
      tpu.vector_store %arg8[%swap3A_92, %swap3A_93], %get3A_91 {strides = array<i32>} : memref<1024x256xf32, #tpu.memory_space<vmem>>, vector<1024x256xf32>,
    } else {
    }
    %get3A = arith.constant 0 : index
    %get3A_7 = arith.constant 0 : index
    %get3A_8 = vector.load %arg3[%get3A, %get3A_7] : memref<4096x256xf32, #tpu.memory_space<vmem>>, vector<4096x256xf32>
    %get3A_9 = arith.constant 0 : index
    %get3A_10 = arith.constant 0 : index
    %get3A_11 = vector.load %arg8[%get3A_9, %get3A_10] : memref<1024x256xf32, #tpu.memory_space<vmem>>, vector<1024x256xf32>
    %dot_general3A = arith.constant dense<0.000000e+00> : vector<4096x1024xf32>
    %dot_general3A_12 = tpu.matmul %get3A_8, %get3A_11, %dot_general3A {dimension_numbers = #tpu.dot_dimension_numbers<[1], [1], [0], [0], [0, 0, 1, 0], [], []>, transpose_lhs_hint = false} : vector<4096x256xf32>, vector<1024x256xf32>, vector<4096x1024xf32> -> vector<4096x1024xf32>
    %swap3A = arith.constant 0 : index
    %swap3A_13 = arith.constant 0 : index
    %swap3A_14 = vector.load %arg6[%swap3A, %swap3A_13] : memref<4096x1024xf32, #tpu.memory_space<vmem>>, vector<4096x1024xf32>
    tpu.vector_store %arg6[%swap3A, %swap3A_13], %dot_general3A_12 {strides = array<i32>} : memref<4096x1024xf32, #tpu.memory_space<vmem>>, vector<4096x1024xf32>,
    %slice3A = vector.extract_strided_slice %dot_general3A_12 {offsets = [0, 0], sizes = [4096, 128], strides = [1, 1]} : vector<4096x1024xf32> to vector<4096x128xf32>
    %slice3A_15 = vector.extract_strided_slice %dot_general3A_12 {offsets = [0, 128], sizes = [4096, 128], strides = [1, 1]} : vector<4096x1024xf32> to vector<4096x128xf32>
    %max3A = arith.maximumf %slice3A, %slice3A_15 : vector<4096x128xf32>
    %slice3A_16 = vector.extract_strided_slice %dot_general3A_12 {offsets = [0, 256], sizes = [4096, 128], strides = [1, 1]} : vector<4096x1024xf32> to vector<4096x128xf32>
    %max3A_17 = arith.maximumf %max3A, %slice3A_16 : vector<4096x128xf32>
    %slice3A_18 = vector.extract_strided_slice %dot_general3A_12 {offsets = [0, 384], sizes = [4096, 128], strides = [1, 1]} : vector<4096x1024xf32> to vector<4096x128xf32>
    %max3A_19 = arith.maximumf %max3A_17, %slice3A_18 : vector<4096x128xf32>
    %slice3A_20 = vector.extract_strided_slice %dot_general3A_12 {offsets = [0, 512], sizes = [4096, 128], strides = [1, 1]} : vector<4096x1024xf32> to vector<4096x128xf32>
    %max3A_21 = arith.maximumf %max3A_19, %slice3A_20 : vector<4096x128xf32>
    %slice3A_22 = vector.extract_strided_slice %dot_general3A_12 {offsets = [0, 640], sizes = [4096, 128], strides = [1, 1]} : vector<4096x1024xf32> to vector<4096x128xf32>
    %max3A_23 = arith.maximumf %max3A_21, %slice3A_22 : vector<4096x128xf32>
    %slice3A_24 = vector.extract_strided_slice %dot_general3A_12 {offsets = [0, 768], sizes = [4096, 128], strides = [1, 1]} : vector<4096x1024xf32> to vector<4096x128xf32>
    %max3A_25 = arith.maximumf %max3A_23, %slice3A_24 : vector<4096x128xf32>
    %slice3A_26 = vector.extract_strided_slice %dot_general3A_12 {offsets = [0, 896], sizes = [4096, 128], strides = [1, 1]} : vector<4096x1024xf32> to vector<4096x128xf32>
    %max3A_27 = arith.maximumf %max3A_25, %slice3A_26 : vector<4096x128xf32>
    %broadcast_in_dim3A = arith.constant 8 : i32
    %broadcast_in_dim3A_28 = vector.broadcast %broadcast_in_dim3A : i32 to vector<4096x128xi32>
    %slice3A_29 = vector.extract_strided_slice %dot_general3A_12 {offsets = [0, 896], sizes = [4096, 128], strides = [1, 1]} : vector<4096x1024xf32> to vector<4096x128xf32>
    %eq3A_30 = arith.cmpf oeq, %slice3A_29, %max3A_27 : vector<4096x128xf32>
    %jit3A = arith.constant 7 : i32
    %broadcast_in_dim3A_31 = vector.broadcast %jit3A : i32 to vector<4096x128xi32>
    %select_n3A = arith.select %eq3A_30, %broadcast_in_dim3A_31, %broadcast_in_dim3A_28 : vector<4096x128xi1>, vector<4096x128xi32>
    %slice3A_32 = vector.extract_strided_slice %dot_general3A_12 {offsets = [0, 768], sizes = [4096, 128], strides = [1, 1]} : vector<4096x1024xf32> to vector<4096x128xf32>
    %eq3A_33 = arith.cmpf oeq, %slice3A_32, %max3A_27 : vector<4096x128xf32>
    %jit3A_34 = arith.constant 6 : i32
    %broadcast_in_dim3A_35 = vector.broadcast %jit3A_34 : i32 to vector<4096x128xi32>
    %select_n3A_36 = arith.select %eq3A_33, %broadcast_in_dim3A_35, %select_n3A : vector<4096x128xi1>, vector<4096x128xi32>
    %slice3A_37 = vector.extract_strided_slice %dot_general3A_12 {offsets = [0, 640], sizes = [4096, 128], strides = [1, 1]} : vector<4096x1024xf32> to vector<4096x128xf32>
    %eq3A_38 = arith.cmpf oeq, %slice3A_37, %max3A_27 : vector<4096x128xf32>
    %jit3A_39 = arith.constant 5 : i32
    %broadcast_in_dim3A_40 = vector.broadcast %jit3A_39 : i32 to vector<4096x128xi32>
    %select_n3A_41 = arith.select %eq3A_38, %broadcast_in_dim3A_40, %select_n3A_36 : vector<4096x128xi1>, vector<4096x128xi32>
    %slice3A_42 = vector.extract_strided_slice %dot_general3A_12 {offsets = [0, 512], sizes = [4096, 128], strides = [1, 1]} : vector<4096x1024xf32> to vector<4096x128xf32>
    %eq3A_43 = arith.cmpf oeq, %slice3A_42, %max3A_27 : vector<4096x128xf32>
    %jit3A_44 = arith.constant 4 : i32
    %broadcast_in_dim3A_45 = vector.broadcast %jit3A_44 : i32 to vector<4096x128xi32>
    %select_n3A_46 = arith.select %eq3A_43, %broadcast_in_dim3A_45, %select_n3A_41 : vector<4096x128xi1>, vector<4096x128xi32>
    %slice3A_47 = vector.extract_strided_slice %dot_general3A_12 {offsets = [0, 384], sizes = [4096, 128], strides = [1, 1]} : vector<4096x1024xf32> to vector<4096x128xf32>
    %eq3A_48 = arith.cmpf oeq, %slice3A_47, %max3A_27 : vector<4096x128xf32>
    %jit3A_49 = arith.constant 3 : i32
    %broadcast_in_dim3A_50 = vector.broadcast %jit3A_49 : i32 to vector<4096x128xi32>
    %select_n3A_51 = arith.select %eq3A_48, %broadcast_in_dim3A_50, %select_n3A_46 : vector<4096x128xi1>, vector<4096x128xi32>
    %slice3A_52 = vector.extract_strided_slice %dot_general3A_12 {offsets = [0, 256], sizes = [4096, 128], strides = [1, 1]} : vector<4096x1024xf32> to vector<4096x128xf32>
    %eq3A_53 = arith.cmpf oeq, %slice3A_52, %max3A_27 : vector<4096x128xf32>
    %jit3A_54 = arith.constant 2 : i32
    %broadcast_in_dim3A_55 = vector.broadcast %jit3A_54 : i32 to vector<4096x128xi32>
    %select_n3A_56 = arith.select %eq3A_53, %broadcast_in_dim3A_55, %select_n3A_51 : vector<4096x128xi1>, vector<4096x128xi32>
    %slice3A_57 = vector.extract_strided_slice %dot_general3A_12 {offsets = [0, 128], sizes = [4096, 128], strides = [1, 1]} : vector<4096x1024xf32> to vector<4096x128xf32>
    %eq3A_58 = arith.cmpf oeq, %slice3A_57, %max3A_27 : vector<4096x128xf32>
    %jit3A_59 = arith.constant 1 : i32
    %broadcast_in_dim3A_60 = vector.broadcast %jit3A_59 : i32 to vector<4096x128xi32>
    %select_n3A_61 = arith.select %eq3A_58, %broadcast_in_dim3A_60, %select_n3A_56 : vector<4096x128xi1>, vector<4096x128xi32>
    %slice3A_62 = vector.extract_strided_slice %dot_general3A_12 {offsets = [0, 0], sizes = [4096, 128], strides = [1, 1]} : vector<4096x1024xf32> to vector<4096x128xf32>
    %eq3A_63 = arith.cmpf oeq, %slice3A_62, %max3A_27 : vector<4096x128xf32>
    %jit3A_64 = arith.constant 0 : i32
    %broadcast_in_dim3A_65 = vector.broadcast %jit3A_64 : i32 to vector<4096x128xi32>
    %select_n3A_66 = arith.select %eq3A_63, %broadcast_in_dim3A_65, %select_n3A_61 : vector<4096x128xi1>, vector<4096x128xi32>
    %iota3A = tpu.iota {dimensions = array<i32: 1>} : vector<4096x128xi32>
    %mul3A = arith.constant 1024 : i32
    %mul3A_67 = arith.muli %arg1, %mul3A : i32
    %mul3A_68 = arith.constant 128 : i32
    %mul3A_69 = vector.broadcast %mul3A_68 : i32 to vector<4096x128xi32>
    %mul3A_70 = arith.muli %select_n3A_66, %mul3A_69 : vector<4096x128xi32>
    %add3A = vector.broadcast %mul3A_67 : i32 to vector<4096x128xi32>
    %add3A_71 = arith.addi %add3A, %mul3A_70 : vector<4096x128xi32>
    %add3A_72 = arith.addi %add3A_71, %iota3A : vector<4096x128xi32>
    %mul3A_73 = arith.constant 4096 : i32
    %mul3A_74 = arith.muli %arg2, %mul3A_73 : i32
    %eq3A_75 = arith.constant 0 : i32
    %eq3A_76 = arith.cmpi eq, %arg1, %eq3A_75 : i32
    %convert_element_type3A_77 = arith.extui %eq3A_76 : i1 to i32
    %cond3A_78 = arith.constant 0 : i32
    %cond3A_79 = arith.cmpi ne, %convert_element_type3A_77, %cond3A_78 : i32
    scf.if %cond3A_79 {
      %swap3A_89 = arith.index_cast %mul3A_74 : i32 to index
      %swap3A_90 = arith.constant 0 : index
      %swap3A_91 = vector.load %arg9[%swap3A_89, %swap3A_90] : memref<4096x128xf32, #tpu.memory_space<vmem>>, vector<4096x128xf32>
      tpu.vector_store %arg9[%swap3A_89, %swap3A_90], %max3A_27 {strides = array<i32>} : memref<4096x128xf32, #tpu.memory_space<vmem>>, vector<4096x128xf32>,
      %swap3A_92 = arith.index_cast %mul3A_74 : i32 to index
      %swap3A_93 = arith.constant 0 : index
      %swap3A_94 = vector.load %arg10[%swap3A_92, %swap3A_93] : memref<4096x128xi32, #tpu.memory_space<vmem>>, vector<4096x128xi32>
      tpu.vector_store %arg10[%swap3A_92, %swap3A_93], %add3A_72 {strides = array<i32>} : memref<4096x128xi32, #tpu.memory_space<vmem>>, vector<4096x128xi32>,
    } else {
    }
    %gt3A = arith.constant 0 : i32
    %gt3A_80 = arith.cmpi sgt, %arg1, %gt3A : i32
    %convert_element_type3A_81 = arith.extui %gt3A_80 : i1 to i32
    %cond3A_82 = arith.constant 0 : i32
    %cond3A_83 = arith.cmpi ne, %convert_element_type3A_81, %cond3A_82 : i32
    scf.if %cond3A_83 {
      %get3A_89 = arith.index_cast %mul3A_74 : i32 to index
      %get3A_90 = arith.constant 0 : index
      %get3A_91 = vector.load %arg9[%get3A_89, %get3A_90] : memref<4096x128xf32, #tpu.memory_space<vmem>>, vector<4096x128xf32>
      %gt3A_92 = arith.cmpf ogt, %max3A_27, %get3A_91 : vector<4096x128xf32>
      %max3A_93 = arith.maximumf %get3A_91, %max3A_27 : vector<4096x128xf32>
      %swap3A_94 = arith.index_cast %mul3A_74 : i32 to index
      %swap3A_95 = arith.constant 0 : index
      %swap3A_96 = vector.load %arg9[%swap3A_94, %swap3A_95] : memref<4096x128xf32, #tpu.memory_space<vmem>>, vector<4096x128xf32>
      tpu.vector_store %arg9[%swap3A_94, %swap3A_95], %max3A_93 {strides = array<i32>} : memref<4096x128xf32, #tpu.memory_space<vmem>>, vector<4096x128xf32>,
      %get3A_97 = arith.index_cast %mul3A_74 : i32 to index
      %get3A_98 = arith.constant 0 : index
      %get3A_99 = vector.load %arg10[%get3A_97, %get3A_98] : memref<4096x128xi32, #tpu.memory_space<vmem>>, vector<4096x128xi32>
      %select_n3A_100 = arith.select %gt3A_92, %add3A_72, %get3A_99 : vector<4096x128xi1>, vector<4096x128xi32>
      %swap3A_101 = arith.index_cast %mul3A_74 : i32 to index
      %swap3A_102 = arith.constant 0 : index
      %swap3A_103 = vector.load %arg10[%swap3A_101, %swap3A_102] : memref<4096x128xi32, #tpu.memory_space<vmem>>, vector<4096x128xi32>
      tpu.vector_store %arg10[%swap3A_101, %swap3A_102], %select_n3A_100 {strides = array<i32>} : memref<4096x128xi32, #tpu.memory_space<vmem>>, vector<4096x128xi32>,
    } else {
    }
    %eq3A_84 = arith.constant 7 : i32
    %eq3A_85 = arith.cmpi eq, %arg1, %eq3A_84 : i32
    %convert_element_type3A_86 = arith.extui %eq3A_85 : i1 to i32
    %cond3A_87 = arith.constant 0 : i32
    %cond3A_88 = arith.cmpi ne, %convert_element_type3A_86, %cond3A_87 : i32
    scf.if %cond3A_88 {
      %get3A_89 = arith.index_cast %mul3A_74 : i32 to index
      %get3A_90 = arith.constant 0 : index
      %get3A_91 = vector.load %arg9[%get3A_89, %get3A_90] : memref<4096x128xf32, #tpu.memory_space<vmem>>, vector<4096x128xf32>
      %get3A_92 = arith.index_cast %mul3A_74 : i32 to index
      %get3A_93 = arith.constant 0 : index
      %get3A_94 = vector.load %arg10[%get3A_92, %get3A_93] : memref<4096x128xi32, #tpu.memory_space<vmem>>, vector<4096x128xi32>
      %reduce_max3A = arith.constant dense<0xFF800000> : vector<4096xf32>
      %reduce_max3A_95 = vector.multi_reduction <maximumf>, %get3A_91, %reduce_max3A [1] : vector<4096x128xf32> to vector<4096xf32>
      %broadcast_in_dim3A_96 = vector.shape_cast %reduce_max3A_95 : vector<4096xf32> to vector<4096x1xf32>
      %eq3A_97 = vector.broadcast %broadcast_in_dim3A_96 : vector<4096x1xf32> to vector<4096x128xf32>
      %eq3A_98 = arith.cmpf oeq, %get3A_91, %eq3A_97 : vector<4096x128xf32>
      %jit3A_99 = arith.constant 8192 : i32
      %broadcast_in_dim3A_100 = vector.broadcast %jit3A_99 : i32 to vector<4096x128xi32>
      %select_n3A_101 = arith.select %eq3A_98, %get3A_94, %broadcast_in_dim3A_100 : vector<4096x128xi1>, vector<4096x128xi32>
      %reduce_min3A = arith.constant dense<2147483647> : vector<4096xi32>
      %reduce_min3A_102 = vector.multi_reduction <minsi>, %select_n3A_101, %reduce_min3A [1] : vector<4096x128xi32> to vector<4096xi32>
      %broadcast_in_dim3A_103 = vector.shape_cast %reduce_min3A_102 : vector<4096xi32> to vector<4096x1xi32>
      %swap3A_104 = arith.constant 0 : index
      %swap3A_105 = arith.constant 0 : index
      %swap3A_106 = arith.constant 0 : index
      %swap3A_107 = vector.load %arg7[%swap3A_104, %swap3A_105, %swap3A_106] : memref<1x4096x1xi32, #tpu.memory_space<vmem>>, vector<1x4096x1xi32>
      %swap3A_108 = vector.shape_cast %swap3A_107 : vector<1x4096x1xi32> to vector<4096x1xi32>
      %swap3A_109 = vector.shape_cast %broadcast_in_dim3A_103 : vector<4096x1xi32> to vector<1x4096x1xi32>
      tpu.vector_store %arg7[%swap3A_104, %swap3A_105, %swap3A_106], %swap3A_109 {strides = array<i32>} : memref<1x4096x1xi32, #tpu.memory_space<vmem>>, vector<1x4096x1xi32>,
    } else {
    }
    return
  }
  func.func @transform_0(%arg0: i32, %arg1: i32, %arg2: i32) -> (i32, i32) {
    %c0_i32 = arith.constant 0 : i32
    return %arg2, %arg0 : i32, i32
  }
  func.func @transform_1(%arg0: i32, %arg1: i32, %arg2: i32) -> (i32, i32) {
    %eq3A = arith.constant 0 : i32
    %eq3A_0 = arith.cmpi eq, %arg0, %eq3A : i32
    %jit3A = arith.constant 0 : i32
    %select_n3A = arith.select %eq3A_0, %arg1, %jit3A : i32
    %c0_i32 = arith.constant 0 : i32
    %c0_i32_1 = arith.constant 0 : i32
    return %select_n3A, %c0_i32 : i32, i32
  }
  func.func @transform_2(%arg0: i32, %arg1: i32, %arg2: i32) -> (i32, i32) {
    %eq3A = arith.constant 1 : i32
    %eq3A_0 = arith.cmpi eq, %arg0, %eq3A : i32
    %jit3A = arith.constant 0 : i32
    %select_n3A = arith.select %eq3A_0, %arg1, %jit3A : i32
    %c0_i32 = arith.constant 0 : i32
    %c0_i32_1 = arith.constant 0 : i32
    return %select_n3A, %c0_i32 : i32, i32
  }
  func.func @transform_3(%arg0: i32, %arg1: i32, %arg2: i32) -> (i32, i32) {
    %mul3A = arith.constant 8 : i32
    %mul3A_0 = arith.muli %arg0, %mul3A : i32
    %add3A = arith.addi %mul3A_0, %arg1 : i32
    %c0_i32 = arith.constant 0 : i32
    return %arg2, %add3A : i32, i32
  }
  func.func @transform_4(%arg0: i32, %arg1: i32, %arg2: i32) -> (i32, i32, i32) {
    %c0_i32 = arith.constant 0 : i32
    %c0_i32_0 = arith.constant 0 : i32
    return %arg0, %arg2, %c0_i32 : i32, i32, i32
  }
}

</mosaic_0001>

<sc_bundles>
// kernel: kernel.4.cloned.1.call-start
scs
__scs_entry_jumppad:
0x0: {  	(pc) =	sbr.rel $0x88, $3  }
0x1: {  	(tag) =	ssettag $0x0;
	lr =	simm.s32 $0x1  }
0x2: {  	[smem:$0x3F9E] =	sst lr;
	_ =	strace $0xD0000000  }
0x3: {  	_ = 	snop  }
0x4: {  	_ = 	snop  }
0x5: {  	_ = 	snop  }
0x6: {  	_ = 	snop  }
0x7: {  	_ = 	snop  }
__scs_overlays_trampoline_lowered:
0x8: {  	[smem:$0x3FAD] =	sst s0  }
0x9: {  	[smem:$0x3FAE] =	sst s1  }
0xa: {  	[smem:$0x3FAF] =	sst s2  }
0xb: {  	[smem:$0x3FB0] =	sst s3  }
0xc: {  	[smem:$0x3FB1] =	sst s4  }
0xd: {  	[smem:$0x3FB2] =	sst s5  }
0xe: {  	[smem:$0x3FB3] =	sst s6  }
0xf: {  	[smem:$0x3FB4] =	sst s7  }
0x10: {  	[smem:$0x3FB5] =	sst s8  }
0x11: {  	[smem:$0x3FB6] =	sst s9;
	s0 =	simm.s32 @!p0 $0x0  }
0x12: {  	s1 =	sld [smem:$0x3F9C];
	s0 =	simm.s32 @p0 $0x1  }
0x13: {  	[smem:$0x3FB7] =	sst s0;
	s0 =	simm.s32 @!p1 $0x0  }
0x14: {  	s2 =	sld [smem:$0x3F9B];
	s0 =	simm.s32 @p1 $0x1  }
0x15: {  	[smem:$0x3FB8] =	sst s0;
	s0 =	simm.s32 @!p2 $0x0  }
0x16: {  	s3 =	sld [smem:$0x3FDB];
	s0 =	simm.s32 @p2 $0x1  }
0x17: {  	s4 =	simm.s32 $0x1BF5;
	[smem:$0x3FBA] =	sst s0  }
0x18: {  	s0 =	sld [smem:$0x3F9D];
	_ =	swait.ge [sflag:s4], $0x0  }
0x19: {  	s7 =	sld [smem:$0x3F9E]  }
0x1a: {  	s8 =	sadd.s32 $0xFFFFE003, lr  }
0x1b: {  	s9 =	sadd.s32 $0xFFFFFEF7, lr;
	s5 =	simm.s32 $0xFFFFFFFF;
	p2 =	slt.u32 s8, $0xFFFFF086  }
0x1c: {  	p1 =	slt.u32 s9, $0xF7A;
	s5 =	simm.s32 @!p2 $0x0  }
0x1d: {  	s5 =	simm.s32 @p1 $0x1;
	p0 =	seq.s32 s7, s2  }
0x1e: {  	s7 =	smul.u32 @!p0 $0xF7A, s2;
	p2 =	seq.s32 @!p0 s5, $0x0  }
0x1f: {  	s9 =	smul.u32 $0xF7A, s1;
	s8 =	simm.s32 @!p0 $0x1BF5;
	p2 =	por !p2, p0  }
0x20: {  	[sflag:s8] =	ssyncset.s32 @!p0 $0xFFFFF086;
	s6 =	sadd.s32 @!p0 s3, s7;
	s7 =	simm.s32 @!p0 $0x108  }
0x21: {  	s3 =	sadd.s32 s3, s9;
	s6 =	sadd.s32 @!p0 $0x88, s6;
	s7 =	simm.s32 @p2 $0x1082  }
0x22: {  	[simem:s7], [sflag:s8] =	dma.local @!p0 [hbm:s6], $0xF7A  }
0x23: {  	s9 =	sor.u32 $0xD0000000, s2;
	s6 =	simm.s32 $0x108;
	_ =	swait.ge @!p0 [sflag:s8], $0x0  }
0x24: {  	s3 =	sadd.s32 $0x88, s3;
	s6 =	simm.s32 @!p1 $0x1082;
	[sflag:s4] =	ssyncset.s32 $0xFFFFF086  }
0x25: {  	[simem:s6], [sflag:s4] =	dma.local [hbm:s3], $0xF7A  }
0x26: {  	[smem:$0x3F9E] =	sst s1;
	(tag) =	ssettag s2;
	_ =	strace s9  }
0x27: {  	s1 =	sld [smem:$0x3FAE]  }
0x28: {  	s2 =	sld [smem:$0x3FAF]  }
0x29: {  	s4 =	sld [smem:$0x3FB1]  }
0x2a: {  	p0 =	seq.s32 s5, $0x0;
	s5 =	sld [smem:$0x3FB2]  }
0x2b: {  	s6 =	sld [smem:$0x3FB3]  }
0x2c: {  	s7 =	sld [smem:$0x3FB4]  }
0x2d: {  	s3 =	simm.s32 $0x108;
	s8 =	sld [smem:$0x3FB5]  }
0x2e: {  	s3 =	simm.s32 @!p0 $0x1082;
	s9 =	sld [smem:$0x3FB6]  }
0x2f: {  	lr =	sadd.s32 s0, s3;
	s0 =	sld [smem:$0x3FAD]  }
0x30: {  	s3 =	sld [smem:$0x3FB0]  }
0x31: {  	[smem:$0x3FB9] =	sst s10  }
0x32: {  	s10 =	sld [smem:$0x3FB7];
	_ =	sdelay $0x3  }
0x33: {  	p0 =	seq.s32 s10, $0x1;
	s10 =	sld [smem:$0x3FB9];
	_ =	sdelay $0x3  }
0x34: {  	[smem:$0x3FB9] =	sst s10  }
0x35: {  	s10 =	sld [smem:$0x3FB8];
	_ =	sdelay $0x3  }
0x36: {  	p1 =	seq.s32 s10, $0x1;
	s10 =	sld [smem:$0x3FB9];
	_ =	sdelay $0x3  }
0x37: {  	[smem:$0x3FB9] =	sst s10  }
0x38: {  	s10 =	sld [smem:$0x3FBA]  }
0x39: {  	_ = 	snop;
	(pc) =	sbr.ind lr, $3  }
0x3a: {  	_ = 	snop  }
0x3b: {  	_ = 	snop  }
0x3c: {  	p2 =	seq.s32 s10, $0x1;
	s10 =	sld [smem:$0x3FB9]  }
0x3d: {  	_ =	shalt  }
0x3e: {  	_ =	shalt  }
0x3f: {  	_ =	shalt  }
0x40: {  	_ =	shalt  }
0x41: {  	_ =	shalt  }
0x42: {  	_ =	shalt  }
0x43: {  	_ =	shalt  }
0x44: {  	_ =	shalt  }
0x45: {  	_ =	shalt  }
0x46: {  	_ =	shalt  }
0x47: {  	_ =	shalt  }
0x48: {  	_ =	shalt  }
0x49: {  	_ =	shalt  }
0x4a: {  	_ =	shalt  }
0x4b: {  	_ =	shalt  }
0x4c: {  	_ =	shalt  }
0x4d: {  	_ =	shalt  }
0x4e: {  	_ =	shalt  }
0x4f: {  	_ =	shalt  }
0x50: {  	_ =	shalt  }
0x51: {  	_ =	shalt  }
0x52: {  	_ =	shalt  }
0x53: {  	_ =	shalt  }
0x54: {  	_ =	shalt  }
0x55: {  	_ =	shalt  }
0x56: {  	_ =	shalt  }
0x57: {  	_ =	shalt  }
0x58: {  	_ =	shalt  }
0x59: {  	_ =	shalt  }
0x5a: {  	_ =	shalt  }
0x5b: {  	_ =	shalt  }
0x5c: {  	_ =	shalt  }
0x5d: {  	_ =	shalt  }
0x5e: {  	_ =	shalt  }
0x5f: {  	_ =	shalt  }
0x60: {  	_ =	shalt  }
0x61: {  	_ =	shalt  }
0x62: {  	_ =	shalt  }
0x63: {  	_ =	shalt  }
0x64: {  	_ =	shalt  }
0x65: {  	_ =	shalt  }
0x66: {  	_ =	shalt  }
0x67: {  	_ =	shalt  }
0x68: {  	_ =	shalt  }
0x69: {  	_ =	shalt  }
0x6a: {  	_ =	shalt  }
0x6b: {  	_ =	shalt  }
0x6c: {  	_ =	shalt  }
0x6d: {  	_ =	shalt  }
0x6e: {  	_ =	shalt  }
0x6f: {  	_ =	shalt  }
0x70: {  	_ =	shalt  }
0x71: {  	_ =	shalt  }
0x72: {  	_ =	shalt  }
0x73: {  	_ =	shalt  }
0x74: {  	_ =	shalt  }
0x75: {  	_ =	shalt  }
0x76: {  	_ =	shalt  }
0x77: {  	_ =	shalt  }
0x78: {  	_ =	shalt  }
0x79: {  	_ =	shalt  }
0x7a: {  	_ =	shalt  }
0x7b: {  	_ =	shalt  }
0x7c: {  	_ =	shalt  }
0x7d: {  	_ =	shalt  }
0x7e: {  	_ =	shalt  }
0x7f: {  	_ =	shalt  }
0x80: {  	_ =	shalt  }
0x81: {  	_ =	shalt  }
0x82: {  	_ =	shalt  }
0x83: {  	_ =	shalt  }
0x84: {  	_ =	shalt  }
0x85: {  	_ =	shalt  }
0x86: {  	_ =	shalt  }
0x87: {  	_ =	shalt  }
.Lfunc_end0:
.L_simem_size_0:
called_computation_lowered:
.L_overlay_start_0:
0x88: {  	s2 =	sld [smem:$0x3FD9]  }
0x89: {  	s3 =	sld [smem:$0x3FFE];
	_ =	sdelay $0x1  }
0x8a: {  	s1 =	srdreg.scid  }
0x8b: {  	s0 =	sand.u32 $0x1, s1  }
0x8c: {  	s14 =	sshll.u32 s0, $0xA;
	s2 =	sadd.s32 s3, s2  }
0x8d: {  	s2 =	sadd.s32 s2, s14  }
0x8e: {  	[smem:$0x3FC5] =	sst s2  }
0x8f: {  	_ = 	snop  }
0x90: {  	s2 =	sld [smem:$0x3FD0];
	_ =	sdelay $0x1  }
0x91: {  	s15 =	sld [smem:$0x3FC8]  }
0x92: {  	s5 =	simm.s32 $0xA;
	s6 =	simm.s32 $0x10;
	s4 =	sld [smem:$0x3FC7]  }
0x93: {  	[smem:s6], [sflag:s5] =	dma.local [hbm:s2], $0x1  }
0x94: {  	_ =	swait.eq [sflag:s5], $0x1  }
0x95: {  	[sflag:s5] =	ssyncset.done $0x0  }
0x96: {  	s16 =	sld [smem:$0x10];
	[sflag:s5] =	ssyncadd.s32 $0xFFFFFFFF  }
0x97: {  	s17 =	sld [smem:$0x11];
	(tm) =	ssettm $0x1  }
0x98: {  	s18 =	sld [smem:$0x3FFB];
	_ =	sdelay $0x3  }
0x99: {  	_ =	strace s18  }
0x9a: {  	s6 =	sld [smem:$0x3FFC];
	_ =	sdelay $0x3  }
0x9b: {  	_ =	strace s6  }
0x9c: {  	s6 =	sld [smem:$0x3FFD];
	_ =	sdelay $0x3  }
0x9d: {  	_ =	strace s6  }
0x9e: {  	_ =	strace $0x8FFFFFFF  }
0x9f: {  	s19 =	sld [smem:$0x3FDB];
	_ =	sdelay $0x1  }
0xa0: {  	s7 =	simm.s32 $_scs_section_size  }
0xa1: {  	s8 =	simm.s32 $_size__tile_overlayer_lowered;
	s9 =	simm.s32 $_tile_overlayer_lowered  }
0xa2: {  	s22 =	simm.s32 $0x1BFF;
	s21 =	sshll.u32 s9, $0x1;
	s6 =	sadd.s32 s7, s19  }
0xa3: {  	s10 =	simm.s32 $0x0;
	s20 =	sshll.u32 s8, $0x1;
	s8 =	sadd.s32 s21, s6  }
0xa4: {  	[timem:s10], [sflag:s22] =	dma.local [hbm:s8], s20  }
0xa5: {  	_ =	swait.ge [sflag:s22], s20  }
0xa6: {  	s7 =	ssub.s32 $0x0, s20;
	[sflag:s22] =	ssyncset.done $0x0  }
0xa7: {  	[sflag:s22] =	ssyncadd.s32 s7;
	_ =	sdelay $0x1  }
0xa8: {  	s23 =	simm.s32 $0x1B8B  }
0xa9: {  	_ =	swait.ge [sflag:s23], $0x1  }
0xaa: {  	[sflag:s23] =	ssyncset.done $0x0  }
0xab: {  	s25 =	simm.s32 $0x1B8E;
	s24 =	sld [smem:$0x3FFE];
	[sflag:s23] =	ssyncadd.s32 $0xFFFFFFFF  }
0xac: {  	s26 =	simm.s32 $execute0_lowered;
	[smem:$0x3FD2] =	sst s25  }
0xad: {  	s8 =	sshll.u32 s26, $0x1;
	_ =	strace $0x80000046;
	[dreg:$0x1] =	wrdreg $0xFFFFFFFF  }
0xae: {  	s28 =	simm.s32 $_size_execute0_lowered;
	s6 =	sadd.s32 s6, s8;
	[dreg:$0x0] =	wrdreg $0x0  }
0xaf: {  	s8 =	sshll.u32 s28, $0x1;
	[dreg:$0x2] =	wrdreg s6  }
0xb0: {  	[dreg:$0x3] =	wrdreg s8  }
0xb1: {  	[dreg:$0x4] =	wrdreg $0xC0  }
0xb2: {  	_ =	task [dreg:s10], $0x5FFFF  }
0xb3: {  	[dreg:$0x1] =	wrdreg $0xFFFFFFFF  }
0xb4: {  	[dreg:$0x0] =	wrdreg $0x60  }
0xb5: {  	[dreg:$0x2] =	wrdreg s15  }
0xb6: {  	[dreg:$0x3] =	wrdreg s4  }
0xb7: {  	[dreg:$0x4] =	wrdreg s24  }
0xb8: {  	[dreg:$0x5] =	wrdreg s16  }
0xb9: {  	[dreg:$0x6] =	wrdreg s17  }
0xba: {  	[dreg:$0x7] =	wrdreg $0x9  }
0xbb: {  	_ =	task.clear_ibuf [dreg:s10], $0x8FFFF;
	_ =	strace $0x90000046  }
0xbc: {  	s29 =	simm.s32 $0x9;
	_ =	strace $0x80000048  }
0xbd: {  	_ =	swait.ge [sflag:s29], $0x1  }
0xbe: {  	[sflag:s29] =	ssyncadd.s32 $0xFFFFFFFF  }
0xbf: {  	_ =	strace $0x90000048  }
0xc0: {  	_ =	sfence  }
0xc1: {  	s30 =	sld [smem:$0x0];
	_ =	sdelay $0x2  }
0xc2: {  	s31 =	sshll.u32 s1, $0xD;
	s1 =	sshrl.u32 s1, $0x2  }
0xc3: {  	s3 =	sand.u32 $0x4000, s31;
	s1 =	sadd.s32 s1, s30  }
0xc4: {  	s0 =	sor.u32 s3, s0;
	s1 =	sshll.u32 s1, $0x11  }
0xc5: {  	s0 =	sor.u32 s1, s0  }
0xc6: {  	s0 =	sadd.s32 $0x8F2B, s0  }
0xc7: {  	[sflag:s0] =	ssyncadd.remote.s32 $0x1  }
0xc8: {  	_ =	sfence.sel $0xFFFF  }
0xc9: {  	[dreg:$0x0] =	wrdreg $0xFFFFFFFF;
	(pc) =	sbr.abs _section_cstart, $3  }
0xca: {  	[dreg:$0x1] =	wrdreg $0xFFFFFFFF  }
0xcb: {  	_ =	task.clear_ibuf [dreg:s10], $0x2FFFF;
	_ =	strace $0x9FFFFFFF  }
0xcc: {  	(tm) =	ssettm $0x7FFFFFFF  }
0xcd: {  	_ =	shalt  }
tec
execute0_lowered:
.L_overlay_start_1:
0x0: {  	(tag) =	ssettag $0x1  }
0x1: {  	s1 =	rddreg [dreg:$0x0]  }
0x2: {  	s2 =	rddreg [dreg:$0x1]  }
0x3: {  	s5 =	rddreg [dreg:$0x2]  }
0x4: {  	s3 =	srdreg.scid;
	s6 =	rddreg [dreg:$0x3]  }
0x5: {  	s0 =	stileid.u32;
	s8 =	rddreg [dreg:$0x4];
	s3 =	sand.u32 $0x1, s3  }
0x6: {  	s14 =	simm.s32 $0x80;
	s4 =	sshll.u32 s0, $0x8;
	s7 =	sshll.u32 s3, $0x7  }
0x7: {  	s15 =	simm.s32 $0x900;
	s7 =	sor.u32 s7, s4;
	s4 =	simm.s32 $0x0  }
0x8: {  	s16 =	simm.s32 $0x1100;
	s17 =	simm.s32 $0x1900;
	[smem:$0x7FF] =	sst s4  }
0x9: {  	s18 =	simm.s32 $0x2100;
	_ =	strace $0x80000047;
	[dreg:$0xc] =	wrdreg s14  }
0xa: {  	s19 =	simm.s32 $0x2900;
	s20 =	simm.s32 $0x3100;
	[dreg:$0xd] =	wrdreg s15  }
0xb: {  	s21 =	simm.s32 $0x3900;
	s22 =	simm.s32 $0x4100;
	[dreg:$0xe] =	wrdreg s16  }
0xc: {  	s24 =	simm.s32 $0x4900;
	s25 =	simm.s32 $0x5100;
	[dreg:$0xf] =	wrdreg s17  }
0xd: {  	s26 =	simm.s32 $0x5900;
	s28 =	simm.s32 $0xF900;
	[dreg:$0x10] =	wrdreg s18  }
0xe: {  	s29 =	simm.s32 $0x1;
	s30 =	simm.s32 $0x800;
	[dreg:$0x11] =	wrdreg s19  }
0xf: {  	s31 =	simm.s32 $0x1000;
	s3 =	ssub.s32 $0x2, s3;
	[dreg:$0x12] =	wrdreg s20  }
0x10: {  	s23 =	sshrl.u32 s3, $0x1;
	s9 =	sshrl.u32 s7, $0x3;
	[dreg:$0x13] =	wrdreg s21  }
0x11: {  	s7 =	sshll.u32 s7, $0x6;
	s3 =	ssub.s32 s3, s23;
	[dreg:$0x14] =	wrdreg s22  }
0x12: {  	s23 =	simm.s32 $0xD900;
	s5 =	sadd.s32 s9, s5;
	[dreg:$0x15] =	wrdreg s24  }
0x13: {  	s10 =	sadd.s32 s6, s7;
	s11 =	sadd.s32 s8, s7;
	[dreg:$0x16] =	wrdreg s25  }
0x14: {  	s7 =	sor.u32 $0x100, s7;
	[dreg:$0x17] =	wrdreg s26;
	s14 =	simm.s32 $0x9100  }
0x15: {  	s15 =	simm.s32 $0x9900;
	s16 =	simm.s32 $0xA100;
	s17 =	simm.s32 $0xA900  }
0x16: {  	s18 =	simm.s32 $0xB100;
	s19 =	simm.s32 $0xB900;
	s20 =	simm.s32 $0xC100  }
0x17: {  	s21 =	simm.s32 $0xC900;
	s22 =	simm.s32 $0xD100;
	s24 =	simm.s32 $0xE100  }
0x18: {  	s25 =	simm.s32 $0xE900;
	s26 =	simm.s32 $0xF100;
	[dreg:$0x8] =	wrdreg s10  }
0x19: {  	s9 =	sadd.s32 $0x600, s5;
	s5 =	sadd.s32 $0x800, s5;
	[dreg:$0x9] =	wrdreg s11  }
0x1a: {  	s12 =	sadd.s32 s6, s7;
	s13 =	sadd.s32 s8, s7;
	[dreg:$0x6] =	wrdreg s9  }
0x1b: {  	s6 =	simm.s32 $0x3;
	s7 =	simm.s32 $0x100;
	[dreg:$0x7] =	wrdreg s5  }
0x1c: {  	v2 =	vlaneseq.u32;
	s10 =	simm.s32 $0x7100;
	s11 =	simm.s32 $0x7900;
	[dreg:$0xa] =	wrdreg s12  }
0x1d: {  	vm0 =	vmmov $0xffff;
	v1 =	vshrl.u32 v2, $0x3;
	[dreg:$0xb] =	wrdreg s13;
	s5 =	smax.u32 s3, $0x1;
	s9 =	simm.s32 $0x6900  }
0x1e: {  	v0 =	vand.u32 $0x7, v2;
	v2 =	vor.u32 $0x8, v2;
	v1 =	vmul.u32 $0x8, v1;
	s12 =	simm.s32 $0x8100;
	s13 =	simm.s32 $0x8900;
	s3 =	simm.s32 $0x2  }
.LBB2_1:
0x1f: {  	s0 =	rddreg [dreg:$0x6]  }
0x20: {  	[tilespmem:s4], [sflag:$0x3] =	stream.linear.gather [hbm4b:s0+s4], $0x80, $0x38;
	[tilespmem:$0x10100] =	vst v63  }
0x21: {  	_ =	swait.ge [sflag:s6], $0x80  }
0x22: {  	s0 =	rddreg [dreg:$0x7];
	[sflag:s6] =	ssyncset.done $0x0  }
0x23: {  	s8 =	rddreg [dreg:$0xc];
	[sflag:s6] =	ssyncadd.s32 $0xFFFFFF80  }
0x24: {  	[tilespmem:s8], [sflag:$0x3] =	stream.linear.gather [hbm4b:s0+s4], $0x80, $0x38;
	[tilespmem:$0x10100] =	vst v63  }
0x25: {  	_ =	swait.ge [sflag:s6], $0x80  }
0x26: {  	[sflag:s6] =	ssyncset.done $0x0  }
0x27: {  	[sflag:s6] =	ssyncadd.s32 $0xFFFFFF80  }
0x28: {  	v3 =	vld [tilespmem:$0x0];
	_ =	sdelay $0x4  }
0x29: {  	v4 =	vshll.u32 v3, $0x1  }
0x2a: {  	v3 =	vand.u32 $0x7, v3;
	v4 =	vand.u32 $0xFFFFFFF0, v4  }
0x2b: {  	v3 =	vor.u32 v3, v4  }
0x2c: {  	v4 =	vperm.xlane v3, v0;
	_ =	sdelay $0x1  }
0x2d: {  	v3 =	vperm.xlane v3, v2;
	v4 =	vadd.s32 v1, v4;
	_ =	sdelay $0x1  }
0x2e: {  	v3 =	vadd.s32 v1, v3;
	_ =	sdelay $0x2  }
0x2f: {  	[tilespmem:s7], [sflag:$0x1] =	stream.indirect_vreg.gather [hbm4b:s1+s4], $0x80, v4, vm0, $0xb8;
	[tilespmem:$0x10100] =	vst v63  }
0x30: {  	s8 =	rddreg [dreg:$0xd]  }
0x31: {  	[tilespmem:s8], [sflag:$0x1] =	stream.indirect_vreg.gather [hbm4b:s1+s4], $0x80, v3, vm0, $0xb8;
	[tilespmem:$0x10100] =	vst v63  }
0x32: {  	v3 =	vld [tilespmem:$0x10];
	_ =	sdelay $0x4  }
0x33: {  	v49 =	vshll.u32 v3, $0x1  }
0x34: {  	v3 =	vand.u32 $0x7, v3;
	v4 =	vand.u32 $0xFFFFFFF0, v49  }
0x35: {  	v3 =	vor.u32 v3, v4  }
0x36: {  	v4 =	vperm.xlane v3, v0;
	_ =	sdelay $0x1  }
0x37: {  	v3 =	vperm.xlane v3, v2;
	v4 =	vadd.s32 v1, v4;
	_ =	sdelay $0x1  }
0x38: {  	v3 =	vadd.s32 v1, v3;
	_ =	sdelay $0x1  }
0x39: {  	s0 =	rddreg [dreg:$0xe]  }
0x3a: {  	[tilespmem:s0], [sflag:$0x1] =	stream.indirect_vreg.gather [hbm4b:s1+s4], $0x80, v4, vm0, $0xb8;
	[tilespmem:$0x10100] =	vst v63  }
0x3b: {  	s8 =	rddreg [dreg:$0xf]  }
0x3c: {  	[tilespmem:s8], [sflag:$0x1] =	stream.indirect_vreg.gather [hbm4b:s1+s4], $0x80, v3, vm0, $0xb8;
	[tilespmem:$0x10100] =	vst v63  }
0x3d: {  	v3 =	vld [tilespmem:$0x20];
	_ =	sdelay $0x4  }
0x3e: {  	v50 =	vshll.u32 v3, $0x1  }
0x3f: {  	v3 =	vand.u32 $0x7, v3;
	v4 =	vand.u32 $0xFFFFFFF0, v50  }
0x40: {  	v3 =	vor.u32 v3, v4  }
0x41: {  	v4 =	vperm.xlane v3, v0;
	_ =	sdelay $0x1  }
0x42: {  	v3 =	vperm.xlane v3, v2;
	v4 =	vadd.s32 v1, v4;
	_ =	sdelay $0x1  }
0x43: {  	v3 =	vadd.s32 v1, v3;
	_ =	sdelay $0x1  }
0x44: {  	s0 =	rddreg [dreg:$0x10]  }
0x45: {  	[tilespmem:s0], [sflag:$0x1] =	stream.indirect_vreg.gather [hbm4b:s1+s4], $0x80, v4, vm0, $0xb8;
	[tilespmem:$0x10100] =	vst v63  }
0x46: {  	s8 =	rddreg [dreg:$0x11]  }
0x47: {  	[tilespmem:s8], [sflag:$0x1] =	stream.indirect_vreg.gather [hbm4b:s1+s4], $0x80, v3, vm0, $0xb8;
	[tilespmem:$0x10100] =	vst v63  }
0x48: {  	v3 =	vld [tilespmem:$0x30];
	_ =	sdelay $0x4  }
0x49: {  	v51 =	vshll.u32 v3, $0x1  }
0x4a: {  	v3 =	vand.u32 $0x7, v3;
	v4 =	vand.u32 $0xFFFFFFF0, v51  }
0x4b: {  	v3 =	vor.u32 v3, v4  }
0x4c: {  	v4 =	vperm.xlane v3, v0;
	_ =	sdelay $0x1  }
0x4d: {  	v3 =	vperm.xlane v3, v2;
	v4 =	vadd.s32 v1, v4;
	_ =	sdelay $0x1  }
0x4e: {  	v3 =	vadd.s32 v1, v3;
	_ =	sdelay $0x1  }
0x4f: {  	s0 =	rddreg [dreg:$0x12]  }
0x50: {  	[tilespmem:s0], [sflag:$0x1] =	stream.indirect_vreg.gather [hbm4b:s1+s4], $0x80, v4, vm0, $0xb8;
	[tilespmem:$0x10100] =	vst v63  }
0x51: {  	s8 =	rddreg [dreg:$0x13]  }
0x52: {  	[tilespmem:s8], [sflag:$0x1] =	stream.indirect_vreg.gather [hbm4b:s1+s4], $0x80, v3, vm0, $0xb8;
	[tilespmem:$0x10100] =	vst v63  }
0x53: {  	v3 =	vld [tilespmem:$0x40];
	_ =	sdelay $0x4  }
0x54: {  	v52 =	vshll.u32 v3, $0x1  }
0x55: {  	v3 =	vand.u32 $0x7, v3;
	v4 =	vand.u32 $0xFFFFFFF0, v52  }
0x56: {  	v3 =	vor.u32 v3, v4  }
0x57: {  	v4 =	vperm.xlane v3, v0;
	_ =	sdelay $0x1  }
0x58: {  	v3 =	vperm.xlane v3, v2;
	v4 =	vadd.s32 v1, v4;
	_ =	sdelay $0x1  }
0x59: {  	v3 =	vadd.s32 v1, v3;
	_ =	sdelay $0x1  }
0x5a: {  	s0 =	rddreg [dreg:$0x14]  }
0x5b: {  	[tilespmem:s0], [sflag:$0x1] =	stream.indirect_vreg.gather [hbm4b:s1+s4], $0x80, v4, vm0, $0xb8;
	[tilespmem:$0x10100] =	vst v63  }
0x5c: {  	s8 =	rddreg [dreg:$0x15]  }
0x5d: {  	[tilespmem:s8], [sflag:$0x1] =	stream.indirect_vreg.gather [hbm4b:s1+s4], $0x80, v3, vm0, $0xb8;
	[tilespmem:$0x10100] =	vst v63  }
0x5e: {  	v3 =	vld [tilespmem:$0x50];
	_ =	sdelay $0x4  }
0x5f: {  	v53 =	vshll.u32 v3, $0x1  }
0x60: {  	v3 =	vand.u32 $0x7, v3;
	v4 =	vand.u32 $0xFFFFFFF0, v53  }
0x61: {  	v3 =	vor.u32 v3, v4  }
0x62: {  	v4 =	vperm.xlane v3, v0;
	_ =	sdelay $0x1  }
0x63: {  	v3 =	vperm.xlane v3, v2;
	v4 =	vadd.s32 v1, v4;
	_ =	sdelay $0x1  }
0x64: {  	v3 =	vadd.s32 v1, v3;
	_ =	sdelay $0x1  }
0x65: {  	s0 =	rddreg [dreg:$0x16]  }
0x66: {  	[tilespmem:s0], [sflag:$0x1] =	stream.indirect_vreg.gather [hbm4b:s1+s4], $0x80, v4, vm0, $0xb8;
	[tilespmem:$0x10100] =	vst v63  }
0x67: {  	s8 =	rddreg [dreg:$0x17]  }
0x68: {  	[tilespmem:s8], [sflag:$0x1] =	stream.indirect_vreg.gather [hbm4b:s1+s4], $0x80, v3, vm0, $0xb8;
	[tilespmem:$0x10100] =	vst v63  }
0x69: {  	v3 =	vld [tilespmem:$0x60];
	_ =	sdelay $0x4  }
0x6a: {  	v54 =	vshll.u32 v3, $0x1  }
0x6b: {  	v3 =	vand.u32 $0x7, v3;
	v4 =	vand.u32 $0xFFFFFFF0, v54  }
0x6c: {  	v3 =	vor.u32 v3, v4  }
0x6d: {  	v4 =	vperm.xlane v3, v0;
	_ =	sdelay $0x1  }
0x6e: {  	v3 =	vperm.xlane v3, v2;
	v4 =	vadd.s32 v1, v4;
	_ =	sdelay $0x1  }
0x6f: {  	v3 =	vadd.s32 v1, v3;
	_ =	sdelay $0x1  }
0x70: {  	s8 =	simm.s32 $0x6100  }
0x71: {  	[tilespmem:s8], [sflag:$0x1] =	stream.indirect_vreg.gather [hbm4b:s1+s4], $0x80, v4, vm0, $0xb8;
	[tilespmem:$0x10100] =	vst v63  }
0x72: {  	_ = 	snop  }
0x73: {  	[tilespmem:s9], [sflag:$0x1] =	stream.indirect_vreg.gather [hbm4b:s1+s4], $0x80, v3, vm0, $0xb8;
	[tilespmem:$0x10100] =	vst v63  }
0x74: {  	v3 =	vld [tilespmem:$0x70];
	_ =	sdelay $0x4  }
0x75: {  	v55 =	vshll.u32 v3, $0x1  }
0x76: {  	v3 =	vand.u32 $0x7, v3;
	v4 =	vand.u32 $0xFFFFFFF0, v55  }
0x77: {  	v3 =	vor.u32 v3, v4  }
0x78: {  	v4 =	vperm.xlane v3, v0;
	_ =	sdelay $0x1  }
0x79: {  	v3 =	vperm.xlane v3, v2;
	v4 =	vadd.s32 v1, v4;
	_ =	sdelay $0x1  }
0x7a: {  	v3 =	vadd.s32 v1, v3;
	_ =	sdelay $0x2  }
0x7b: {  	[tilespmem:s10], [sflag:$0x1] =	stream.indirect_vreg.gather [hbm4b:s1+s4], $0x80, v4, vm0, $0xb8;
	[tilespmem:$0x10100] =	vst v63  }
0x7c: {  	_ = 	snop  }
0x7d: {  	[tilespmem:s11], [sflag:$0x1] =	stream.indirect_vreg.gather [hbm4b:s1+s4], $0x80, v3, vm0, $0xb8;
	[tilespmem:$0x10100] =	vst v63  }
0x7e: {  	v3 =	vld [tilespmem:$0x80];
	_ =	sdelay $0x4  }
0x7f: {  	v56 =	vshll.u32 v3, $0x1  }
0x80: {  	v3 =	vand.u32 $0x7, v3;
	v4 =	vand.u32 $0xFFFFFFF0, v56  }
0x81: {  	v3 =	vor.u32 v3, v4  }
0x82: {  	v4 =	vperm.xlane v3, v0;
	_ =	sdelay $0x1  }
0x83: {  	v3 =	vperm.xlane v3, v2;
	v4 =	vadd.s32 v1, v4;
	_ =	sdelay $0x1  }
0x84: {  	v3 =	vadd.s32 v1, v3;
	_ =	sdelay $0x2  }
0x85: {  	[tilespmem:s12], [sflag:$0x1] =	stream.indirect_vreg.gather [hbm4b:s2+s4], $0x80, v4, vm0, $0xb8;
	[tilespmem:$0x10100] =	vst v63  }
0x86: {  	_ = 	snop  }
0x87: {  	[tilespmem:s13], [sflag:$0x1] =	stream.indirect_vreg.gather [hbm4b:s2+s4], $0x80, v3, vm0, $0xb8;
	[tilespmem:$0x10100] =	vst v63  }
0x88: {  	v3 =	vld [tilespmem:$0x90];
	_ =	sdelay $0x4  }
0x89: {  	v57 =	vshll.u32 v3, $0x1  }
0x8a: {  	v3 =	vand.u32 $0x7, v3;
	v4 =	vand.u32 $0xFFFFFFF0, v57  }
0x8b: {  	v3 =	vor.u32 v3, v4  }
0x8c: {  	v4 =	vperm.xlane v3, v0;
	_ =	sdelay $0x1  }
0x8d: {  	v3 =	vperm.xlane v3, v2;
	v4 =	vadd.s32 v1, v4;
	_ =	sdelay $0x1  }
0x8e: {  	v3 =	vadd.s32 v1, v3;
	_ =	sdelay $0x2  }
0x8f: {  	[tilespmem:s14], [sflag:$0x1] =	stream.indirect_vreg.gather [hbm4b:s2+s4], $0x80, v4, vm0, $0xb8;
	[tilespmem:$0x10100] =	vst v63  }
0x90: {  	_ = 	snop  }
0x91: {  	[tilespmem:s15], [sflag:$0x1] =	stream.indirect_vreg.gather [hbm4b:s2+s4], $0x80, v3, vm0, $0xb8;
	[tilespmem:$0x10100] =	vst v63  }
0x92: {  	v3 =	vld [tilespmem:$0xA0];
	_ =	sdelay $0x4  }
0x93: {  	v58 =	vshll.u32 v3, $0x1  }
0x94: {  	v3 =	vand.u32 $0x7, v3;
	v4 =	vand.u32 $0xFFFFFFF0, v58  }
0x95: {  	v3 =	vor.u32 v3, v4  }
0x96: {  	v4 =	vperm.xlane v3, v0;
	_ =	sdelay $0x1  }
0x97: {  	v3 =	vperm.xlane v3, v2;
	v4 =	vadd.s32 v1, v4;
	_ =	sdelay $0x1  }
0x98: {  	v3 =	vadd.s32 v1, v3;
	_ =	sdelay $0x2  }
0x99: {  	[tilespmem:s16], [sflag:$0x1] =	stream.indirect_vreg.gather [hbm4b:s2+s4], $0x80, v4, vm0, $0xb8;
	[tilespmem:$0x10100] =	vst v63  }
0x9a: {  	_ = 	snop  }
0x9b: {  	[tilespmem:s17], [sflag:$0x1] =	stream.indirect_vreg.gather [hbm4b:s2+s4], $0x80, v3, vm0, $0xb8;
	[tilespmem:$0x10100] =	vst v63  }
0x9c: {  	v3 =	vld [tilespmem:$0xB0];
	_ =	sdelay $0x4  }
0x9d: {  	v59 =	vshll.u32 v3, $0x1  }
0x9e: {  	v3 =	vand.u32 $0x7, v3;
	v4 =	vand.u32 $0xFFFFFFF0, v59  }
0x9f: {  	v3 =	vor.u32 v3, v4  }
0xa0: {  	v4 =	vperm.xlane v3, v0;
	_ =	sdelay $0x1  }
0xa1: {  	v3 =	vperm.xlane v3, v2;
	v4 =	vadd.s32 v1, v4;
	_ =	sdelay $0x1  }
0xa2: {  	v3 =	vadd.s32 v1, v3;
	_ =	sdelay $0x2  }
0xa3: {  	[tilespmem:s18], [sflag:$0x1] =	stream.indirect_vreg.gather [hbm4b:s2+s4], $0x80, v4, vm0, $0xb8;
	[tilespmem:$0x10100] =	vst v63  }
0xa4: {  	_ = 	snop  }
0xa5: {  	[tilespmem:s19], [sflag:$0x1] =	stream.indirect_vreg.gather [hbm4b:s2+s4], $0x80, v3, vm0, $0xb8;
	[tilespmem:$0x10100] =	vst v63  }
0xa6: {  	v3 =	vld [tilespmem:$0xC0];
	_ =	sdelay $0x4  }
0xa7: {  	v60 =	vshll.u32 v3, $0x1  }
0xa8: {  	v3 =	vand.u32 $0x7, v3;
	v4 =	vand.u32 $0xFFFFFFF0, v60  }
0xa9: {  	v3 =	vor.u32 v3, v4  }
0xaa: {  	v4 =	vperm.xlane v3, v0;
	_ =	sdelay $0x1  }
0xab: {  	v3 =	vperm.xlane v3, v2;
	v4 =	vadd.s32 v1, v4;
	_ =	sdelay $0x1  }
0xac: {  	v3 =	vadd.s32 v1, v3;
	_ =	sdelay $0x2  }
0xad: {  	[tilespmem:s20], [sflag:$0x1] =	stream.indirect_vreg.gather [hbm4b:s2+s4], $0x80, v4, vm0, $0xb8;
	[tilespmem:$0x10100] =	vst v63  }
0xae: {  	_ = 	snop  }
0xaf: {  	[tilespmem:s21], [sflag:$0x1] =	stream.indirect_vreg.gather [hbm4b:s2+s4], $0x80, v3, vm0, $0xb8;
	[tilespmem:$0x10100] =	vst v63  }
0xb0: {  	v3 =	vld [tilespmem:$0xD0];
	_ =	sdelay $0x4  }
0xb1: {  	v61 =	vshll.u32 v3, $0x1  }
0xb2: {  	v3 =	vand.u32 $0x7, v3;
	v4 =	vand.u32 $0xFFFFFFF0, v61  }
0xb3: {  	v3 =	vor.u32 v3, v4  }
0xb4: {  	v4 =	vperm.xlane v3, v0;
	_ =	sdelay $0x1  }
0xb5: {  	v3 =	vperm.xlane v3, v2;
	v4 =	vadd.s32 v1, v4;
	_ =	sdelay $0x1  }
0xb6: {  	v3 =	vadd.s32 v1, v3;
	_ =	sdelay $0x2  }
0xb7: {  	[tilespmem:s22], [sflag:$0x1] =	stream.indirect_vreg.gather [hbm4b:s2+s4], $0x80, v4, vm0, $0xb8;
	[tilespmem:$0x10100] =	vst v63  }
0xb8: {  	_ = 	snop  }
0xb9: {  	[tilespmem:s23], [sflag:$0x1] =	stream.indirect_vreg.gather [hbm4b:s2+s4], $0x80, v3, vm0, $0xb8;
	[tilespmem:$0x10100] =	vst v63  }
0xba: {  	v3 =	vld [tilespmem:$0xE0];
	_ =	sdelay $0x4  }
0xbb: {  	v62 =	vshll.u32 v3, $0x1  }
0xbc: {  	v3 =	vand.u32 $0x7, v3;
	v4 =	vand.u32 $0xFFFFFFF0, v62  }
0xbd: {  	v3 =	vor.u32 v3, v4  }
0xbe: {  	v4 =	vperm.xlane v3, v0;
	_ =	sdelay $0x1  }
0xbf: {  	v3 =	vperm.xlane v3, v2;
	v4 =	vadd.s32 v1, v4;
	_ =	sdelay $0x1  }
0xc0: {  	v3 =	vadd.s32 v1, v3;
	_ =	sdelay $0x2  }
0xc1: {  	[tilespmem:s24], [sflag:$0x1] =	stream.indirect_vreg.gather [hbm4b:s2+s4], $0x80, v4, vm0, $0xb8;
	[tilespmem:$0x10100] =	vst v63  }
0xc2: {  	_ = 	snop  }
0xc3: {  	[tilespmem:s25], [sflag:$0x1] =	stream.indirect_vreg.gather [hbm4b:s2+s4], $0x80, v3, vm0, $0xb8;
	[tilespmem:$0x10100] =	vst v63  }
0xc4: {  	v3 =	vld [tilespmem:$0xF0];
	_ =	sdelay $0x4  }
0xc5: {  	v63 =	vshll.u32 v3, $0x1  }
0xc6: {  	v3 =	vand.u32 $0x7, v3;
	v4 =	vand.u32 $0xFFFFFFF0, v63  }
0xc7: {  	v3 =	vor.u32 v3, v4  }
0xc8: {  	v4 =	vperm.xlane v3, v0;
	_ =	sdelay $0x1  }
0xc9: {  	v3 =	vperm.xlane v3, v2;
	v4 =	vadd.s32 v1, v4;
	_ =	sdelay $0x1  }
0xca: {  	v3 =	vadd.s32 v1, v3;
	_ =	sdelay $0x2  }
0xcb: {  	[tilespmem:s26], [sflag:$0x1] =	stream.indirect_vreg.gather [hbm4b:s2+s4], $0x80, v4, vm0, $0xb8;
	[tilespmem:$0x10100] =	vst v63  }
0xcc: {  	_ = 	snop  }
0xcd: {  	[tilespmem:s28], [sflag:$0x1] =	stream.indirect_vreg.gather [hbm4b:s2+s4], $0x80, v3, vm0, $0xb8;
	[tilespmem:$0x10100] =	vst v63  }
0xce: {  	_ =	swait.ge [sflag:s29], $0x8000  }
0xcf: {  	[sflag:s29] =	ssyncset.done $0x0  }
0xd0: {  	s0 =	rddreg [dreg:$0x8];
	[sflag:s29] =	ssyncadd.s32 $0xFFFF8000  }
0xd1: {  	[hbm4b:s0+s30] =	stream.strided.scatter [tilespmem:s7], [sflag:$0x2], $0x8000, s31, s30, $0x38;
	[tilespmem:$0x10100] =	vst v63  }
0xd2: {  	s8 =	rddreg [dreg:$0x9]  }
0xd3: {  	[hbm4b:s8+s30] =	stream.strided.scatter [tilespmem:s7], [sflag:$0x2], $0x8000, s31, s30, $0x38;
	[tilespmem:$0x10100] =	vst v63  }
0xd4: {  	_ =	swait.ge [sflag:s29], $0x8000  }
0xd5: {  	[sflag:s29] =	ssyncset.done $0x0  }
0xd6: {  	s0 =	rddreg [dreg:$0xa];
	[sflag:s29] =	ssyncadd.s32 $0xFFFF8000  }
0xd7: {  	[hbm4b:s0+s30] =	stream.strided.scatter [tilespmem:s12], [sflag:$0x2], $0x8000, s31, s30, $0x38;
	[tilespmem:$0x10100] =	vst v63  }
0xd8: {  	s8 =	rddreg [dreg:$0xb]  }
0xd9: {  	[hbm4b:s8+s30] =	stream.strided.scatter [tilespmem:s12], [sflag:$0x2], $0x8000, s31, s30, $0x38;
	[tilespmem:$0x10100] =	vst v63  }
0xda: {  	_ =	swait.ge [sflag:s3], $0x8000  }
0xdb: {  	[sflag:s3] =	ssyncset.done $0x0  }
0xdc: {  	[sflag:s3] =	ssyncadd.s32 $0xFFFF8000  }
0xdd: {  	_ =	swait.ge [sflag:s3], $0x8000  }
0xde: {  	[sflag:s3] =	ssyncset.done $0x0  }
0xdf: {  	[sflag:s3] =	ssyncadd.s32 $0xFFFF8000  }
0xe0: {  	p0 =	sne.s32 s5, $0x1;
	_ =	swait.ge [sflag:s3], $0x8000  }
.Ltmp0:
0xe1: {  	[sflag:s3] =	ssyncset.done $0x0;
	(pc) =	sbr.rel @p0 .LBB2_1-.Ltmp0, $4  }
0xe2: {  	[sflag:s3] =	ssyncadd.s32 $0xFFFF8000  }
0xe3: {  	_ =	swait.ge [sflag:s3], $0x8000  }
0xe4: {  	[sflag:s3] =	ssyncset.done $0x0  }
0xe5: {  	s5 =	sadd.s32 $0xFFFFFFFF, s5;
	[sflag:s3] =	ssyncadd.s32 $0xFFFF8000  }
0xe6: {  	_ =	sfence.sel $0x180000  }
0xe7: {  	[bflag:$0x0] =	sbarrier.arrive $0xFFFF  }
0xe8: {  	_ =	strace $0x90000047  }
0xe9: {  	s0 =	stileid.u32;
	[bflag:$0x2] =	sbarrier.arrive $0xFFFF  }
0xea: {  	p0 =	sne.s32 s0, $0x0;
	s0 =	rddreg [dreg:$0x5]  }
0xeb: {  	s0 =	sadd.s32 @!p0 $0x100000, s0  }
0xec: {  	[sflag:s0] =	ssyncadd.tile.s32 @!p0 $0x1;
	_ =	shalt  }
.Lfunc_end2:
_tile_overlayer_lowered:
.L_overlay_start_2:
0xed: {  	(tag) =	ssettag $0x2  }
0xee: {  	s0 =	rddreg [dreg:$0x0];
	s2 =	stileid.u32  }
0xef: {  	s1 =	rddreg [dreg:$0x1];
	p0 =	sne.s32 s2, $0x0  }
0xf0: {  	s3 =	rddreg [dreg:$0x2];
	[bflag:$0x3] =	sbarrier.arrive $0xFFFF;
	s2 =	simm.s32 @!p0 $0x1C03  }
0xf1: {  	[timem:s3], [sflag:s2] =	dma.local @!p0 [hbm:s0], s1  }
0xf2: {  	s0 =	simm.s32 @!p0 $0x3  }
0xf3: {  	_ =	swait.ge @!p0 [sflag:s0], s1  }
0xf4: {  	s1 =	ssub.s32 @!p0 $0x0, s1;
	[sflag:s0] =	ssyncset.done @!p0 $0x0  }
0xf5: {  	[sflag:s0] =	ssyncadd.s32 @!p0 s1  }
0xf6: {  	[bflag:$0x3] =	sbarrier.arrive $0xFFFF  }
0xf7: {  	_ =	shalt  }

</sc_bundles>
